<compile_context>
chip_gen: v7x
topology: tpu7x:2x2x1
jax: 0.10.2.dev20260603
libtpu: 0.0.44.dev20260713+nightly
codegen_flags: <defaults>
</compile_context>

<pallas_src>
import jax
import jax.numpy as jnp
from jax import lax
from jax.experimental import pallas as pl
from jax.experimental.pallas import tpu as pltpu
from jax.experimental.pallas import tpu_sc as plsc

_NC, _NS = 2, 16
_NW = _NC * _NS
_CHUNK = 1568
_PAD = _NW * _CHUNK
_ATM = 50000


def _flags_body(idx_hbm, out_hbm, buf, idx_v):
    wid = lax.axis_index("s") * _NC + lax.axis_index("c")
    base = wid * _CHUNK

    def zero(i, carry):
        buf[pl.ds(pl.multiple_of(16 * i, 16), 16)] = jnp.zeros((16,), jnp.int32)
        return carry

    lax.fori_loop(0, _CHUNK // 16, zero, 0)
    pltpu.sync_copy(idx_hbm, idx_v)
    for k in range(64 // 16):
        v = idx_v[pl.ds(16 * k, 16)]
        v = jnp.where(v < 0, v + _ATM, v)
        r = v - base
        inb = (r >= 0) & (r < _CHUNK)
        r_c = jnp.clip(r, 0, _CHUNK - 1)
        plsc.store_scatter(buf, [r_c], jnp.ones((16,), jnp.int32), mask=inb)
    pltpu.sync_copy(buf, out_hbm.at[pl.ds(base, _CHUNK)])


_flags = pl.kernel(
    _flags_body,
    out_type=jax.ShapeDtypeStruct((_PAD,), jnp.int32),
    mesh=plsc.VectorSubcoreMesh(
        core_axis_name="c", subcore_axis_name="s", num_cores=_NC, num_subcores=_NS
    ),
    scratch_types=[
        pltpu.VMEM((_CHUNK,), jnp.int32),
        pltpu.VMEM((64,), jnp.int32),
    ],
    compiler_params=pltpu.CompilerParams(needs_layout_passes=False),
)


def _copy_body(in_ref, out_ref):
    out_ref[...] = in_ref[...]


_LBLK = 6400


def _copy(pos_t):
    d, b, atm = pos_t.shape
    return pl.pallas_call(
        _copy_body,
        grid=(pl.cdiv(atm, _LBLK),),
        in_specs=[pl.BlockSpec((d, b, _LBLK), lambda i: (0, 0, i))],
        out_specs=pl.BlockSpec((d, b, _LBLK), lambda i: (0, 0, i)),
        out_shape=jax.ShapeDtypeStruct((d, b, atm), pos_t.dtype),
    )(pos_t)


def kernel(pos, idx):
    atm, dim = pos.shape[1], pos.shape[2]
    pos_ct = _copy(jnp.transpose(pos, (2, 0, 1)))
    pos_out = jnp.transpose(pos_ct, (1, 2, 0))
    idx2 = lax.optimization_barrier((pos_ct, idx))[1]
    flags = _flags(idx2)
    msk = jnp.broadcast_to((flags[:atm] != 0)[None, :, None], (1, atm, dim))
    return (pos_out, msk)

# --- scband reference (transcript-rebuilt; emitter-appended) ---
"""Pipeline reference for scband-fix-89910845375113 (READ-ONLY COPY).

The authoritative reference and input builder live on the scoring server;
editing this copy changes nothing except your own understanding.
"""

import jax, jax.numpy as jnp
import numpy as np

# Keys of the molecule dict in the original torch module (p.pos / p.fix_msk)
P_POS = "pos"
P_FIX_MSK = "fix_msk"


def setup_inputs(seed: int = 0) -> dict:
    key = jax.random.key(seed)
    # mol[p.pos]: float32[B, atm, dim]
    pos = jax.random.normal(key, (8, 50000, 3), dtype=jnp.float32)
    # registered buffer idx (constructor arg): 64 fixed-atom indices
    idx = jnp.arange(64, dtype=jnp.int32)
    return {"pos": pos, "idx": idx}


def reference(pos, idx):
    # fix_msk(mol, idx): build bool mask [atm, dim], scatter-overwrite True at idx rows
    atm, dim = pos.shape[1], pos.shape[2]
    msk = jnp.zeros((atm, dim), dtype=jnp.bool_)
    msk = msk.at[idx, :].set(True)
    msk = msk[None, :, :]  # [1, atm, dim]
    # forward: out = mol.copy(); out[p.fix_msk] = msk (fix_msk not present in input dict)
    # Return the dict contents as a tuple: (out[p.pos], out[p.fix_msk])
    return (pos, msk)

if __name__ == "__main__":
    import jax
    _d = setup_inputs()
    print(jax.jit(kernel)(*tuple(_d.values())))

</pallas_src>

<mosaic_0001>
#map = affine_map<(d0, d1) -> (0)>
module attributes {stable_mosaic.version = 14 : i64} {
  func.func @_flags_body(%arg0: i32, %arg1: i32, %arg2: memref<64xi32, #tpu.memory_space<hbm>>, %arg3: memref<50176xi32, #tpu.memory_space<hbm>>, %arg4: memref<1568xi32, #tpu.memory_space<vmem>>, %arg5: memref<64xi32, #tpu.memory_space<vmem>>) attributes {dimension_semantics = [#tpu.dimension_semantics<core_parallel>, #tpu.dimension_semantics<subcore_parallel>], iteration_bounds = array<i64: 2, 16>, scalar_prefetch = 0 : i64, scratch_operands = 2 : i64, tpu.core_type = #tpu.core_type<sc_vector_subcore>, window_params = [{transform_indices = #map}, {transform_indices = #map}]} {
    %mul3A = arith.constant 2 : i32
    %mul3A_0 = arith.muli %arg1, %mul3A : i32
    %add3A = arith.addi %mul3A_0, %arg0 : i32
    %mul3A_1 = arith.constant 1568 : i32
    %mul3A_2 = arith.muli %add3A, %mul3A_1 : i32
    %scan3A = arith.constant 0 : i32
    %scan3A_3 = arith.constant 0 : i32
    %scan3A_4 = arith.constant 98 : i32
    %scan3A_5 = arith.addi %scan3A_3, %scan3A_4 : i32
    %scan3A_6 = arith.constant 1 : i32
    scf.for %scan3A_102 = %scan3A_3 to %scan3A_5 step %scan3A_6  : i32 {
      %broadcast_in_dim3A_103 = arith.constant 0 : i32
      %broadcast_in_dim3A_104 = vector.broadcast %broadcast_in_dim3A_103 : i32 to vector<16xi32>
      %mul3A_105 = arith.constant 16 : i32
      %mul3A_106 = arith.muli %mul3A_105, %scan3A_102 : i32
      %multiple_of3A = tpu.assume_multiple %mul3A_106, 16 : i32
      %swap3A = arith.index_cast %multiple_of3A : i32 to index
      %swap3A_107 = tpu.vector_load %arg4[%swap3A] {strides = array<i32>} : memref<1568xi32, #tpu.memory_space<vmem>>, vector<16xi32>,
      tpu.vector_store %arg4[%swap3A], %broadcast_in_dim3A_104 {strides = array<i32>} : memref<1568xi32, #tpu.memory_space<vmem>>, vector<16xi32>,
    }
    %scan3A_7 = arith.constant 98 : i32
    "tpu.region"() ({
      %run_scoped3A = tpu.sem_alloc : memref<!tpu.dma_semaphore, #tpu.memory_space<semaphore_mem>>
      tpu.enqueue_dma source(%arg2 : memref<64xi32, #tpu.memory_space<hbm>>) target(%arg5 : memref<64xi32, #tpu.memory_space<vmem>>) target_semaphore(%run_scoped3A : memref<!tpu.dma_semaphore, #tpu.memory_space<semaphore_mem>>)
      tpu.wait_dma2 semaphore(%run_scoped3A : memref<!tpu.dma_semaphore, #tpu.memory_space<semaphore_mem>>) src(%arg2 : memref<64xi32, #tpu.memory_space<hbm>>) dst(%arg5 : memref<64xi32, #tpu.memory_space<vmem>>)
      tpu.yield
    }) : () -> ()
    %get3A = arith.constant 0 : index
    %get3A_8 = tpu.vector_load %arg5[%get3A] {strides = array<i32>} : memref<64xi32, #tpu.memory_space<vmem>>, vector<16xi32>,
    %lt3A = arith.constant 0 : i32
    %lt3A_9 = vector.broadcast %lt3A : i32 to vector<16xi32>
    %lt3A_10 = arith.cmpi slt, %get3A_8, %lt3A_9 : vector<16xi32>
    %add3A_11 = arith.constant 50000 : i32
    %add3A_12 = vector.broadcast %add3A_11 : i32 to vector<16xi32>
    %add3A_13 = arith.addi %get3A_8, %add3A_12 : vector<16xi32>
    %select_n3A = arith.select %lt3A_10, %add3A_13, %get3A_8 : vector<16xi1>, vector<16xi32>
    %sub3A = vector.broadcast %mul3A_2 : i32 to vector<16xi32>
    %sub3A_14 = arith.subi %select_n3A, %sub3A : vector<16xi32>
    %ge3A = arith.constant 0 : i32
    %ge3A_15 = vector.broadcast %ge3A : i32 to vector<16xi32>
    %ge3A_16 = arith.cmpi sge, %sub3A_14, %ge3A_15 : vector<16xi32>
    %lt3A_17 = arith.constant 1568 : i32
    %lt3A_18 = vector.broadcast %lt3A_17 : i32 to vector<16xi32>
    %lt3A_19 = arith.cmpi slt, %sub3A_14, %lt3A_18 : vector<16xi32>
    %and3A = arith.andi %ge3A_16, %lt3A_19 : vector<16xi1>
    %jit3A = arith.constant 0 : i32
    %jit3A_20 = arith.constant 1567 : i32
    %max3A = vector.broadcast %jit3A : i32 to vector<16xi32>
    %max3A_21 = arith.maxsi %max3A, %sub3A_14 : vector<16xi32>
    %min3A = vector.broadcast %jit3A_20 : i32 to vector<16xi32>
    %min3A_22 = arith.minsi %min3A, %max3A_21 : vector<16xi32>
    %broadcast_in_dim3A = arith.constant 1 : i32
    %broadcast_in_dim3A_23 = vector.broadcast %broadcast_in_dim3A : i32 to vector<16xi32>
    tpu.vector_store_idx %arg4[%min3A_22], %broadcast_in_dim3A_23 masked %and3A : memref<1568xi32, #tpu.memory_space<vmem>>[vector<16xi32>], vector<16xi32>, vector<16xi1>
    %get3A_24 = arith.constant 16 : index
    %get3A_25 = tpu.vector_load %arg5[%get3A_24] {strides = array<i32>} : memref<64xi32, #tpu.memory_space<vmem>>, vector<16xi32>,
    %lt3A_26 = arith.constant 0 : i32
    %lt3A_27 = vector.broadcast %lt3A_26 : i32 to vector<16xi32>
    %lt3A_28 = arith.cmpi slt, %get3A_25, %lt3A_27 : vector<16xi32>
    %add3A_29 = arith.constant 50000 : i32
    %add3A_30 = vector.broadcast %add3A_29 : i32 to vector<16xi32>
    %add3A_31 = arith.addi %get3A_25, %add3A_30 : vector<16xi32>
    %select_n3A_32 = arith.select %lt3A_28, %add3A_31, %get3A_25 : vector<16xi1>, vector<16xi32>
    %sub3A_33 = vector.broadcast %mul3A_2 : i32 to vector<16xi32>
    %sub3A_34 = arith.subi %select_n3A_32, %sub3A_33 : vector<16xi32>
    %ge3A_35 = arith.constant 0 : i32
    %ge3A_36 = vector.broadcast %ge3A_35 : i32 to vector<16xi32>
    %ge3A_37 = arith.cmpi sge, %sub3A_34, %ge3A_36 : vector<16xi32>
    %lt3A_38 = arith.constant 1568 : i32
    %lt3A_39 = vector.broadcast %lt3A_38 : i32 to vector<16xi32>
    %lt3A_40 = arith.cmpi slt, %sub3A_34, %lt3A_39 : vector<16xi32>
    %and3A_41 = arith.andi %ge3A_37, %lt3A_40 : vector<16xi1>
    %jit3A_42 = arith.constant 0 : i32
    %jit3A_43 = arith.constant 1567 : i32
    %max3A_44 = vector.broadcast %jit3A_42 : i32 to vector<16xi32>
    %max3A_45 = arith.maxsi %max3A_44, %sub3A_34 : vector<16xi32>
    %min3A_46 = vector.broadcast %jit3A_43 : i32 to vector<16xi32>
    %min3A_47 = arith.minsi %min3A_46, %max3A_45 : vector<16xi32>
    %broadcast_in_dim3A_48 = arith.constant 1 : i32
    %broadcast_in_dim3A_49 = vector.broadcast %broadcast_in_dim3A_48 : i32 to vector<16xi32>
    tpu.vector_store_idx %arg4[%min3A_47], %broadcast_in_dim3A_49 masked %and3A_41 : memref<1568xi32, #tpu.memory_space<vmem>>[vector<16xi32>], vector<16xi32>, vector<16xi1>
    %get3A_50 = arith.constant 32 : index
    %get3A_51 = tpu.vector_load %arg5[%get3A_50] {strides = array<i32>} : memref<64xi32, #tpu.memory_space<vmem>>, vector<16xi32>,
    %lt3A_52 = arith.constant 0 : i32
    %lt3A_53 = vector.broadcast %lt3A_52 : i32 to vector<16xi32>
    %lt3A_54 = arith.cmpi slt, %get3A_51, %lt3A_53 : vector<16xi32>
    %add3A_55 = arith.constant 50000 : i32
    %add3A_56 = vector.broadcast %add3A_55 : i32 to vector<16xi32>
    %add3A_57 = arith.addi %get3A_51, %add3A_56 : vector<16xi32>
    %select_n3A_58 = arith.select %lt3A_54, %add3A_57, %get3A_51 : vector<16xi1>, vector<16xi32>
    %sub3A_59 = vector.broadcast %mul3A_2 : i32 to vector<16xi32>
    %sub3A_60 = arith.subi %select_n3A_58, %sub3A_59 : vector<16xi32>
    %ge3A_61 = arith.constant 0 : i32
    %ge3A_62 = vector.broadcast %ge3A_61 : i32 to vector<16xi32>
    %ge3A_63 = arith.cmpi sge, %sub3A_60, %ge3A_62 : vector<16xi32>
    %lt3A_64 = arith.constant 1568 : i32
    %lt3A_65 = vector.broadcast %lt3A_64 : i32 to vector<16xi32>
    %lt3A_66 = arith.cmpi slt, %sub3A_60, %lt3A_65 : vector<16xi32>
    %and3A_67 = arith.andi %ge3A_63, %lt3A_66 : vector<16xi1>
    %jit3A_68 = arith.constant 0 : i32
    %jit3A_69 = arith.constant 1567 : i32
    %max3A_70 = vector.broadcast %jit3A_68 : i32 to vector<16xi32>
    %max3A_71 = arith.maxsi %max3A_70, %sub3A_60 : vector<16xi32>
    %min3A_72 = vector.broadcast %jit3A_69 : i32 to vector<16xi32>
    %min3A_73 = arith.minsi %min3A_72, %max3A_71 : vector<16xi32>
    %broadcast_in_dim3A_74 = arith.constant 1 : i32
    %broadcast_in_dim3A_75 = vector.broadcast %broadcast_in_dim3A_74 : i32 to vector<16xi32>
    tpu.vector_store_idx %arg4[%min3A_73], %broadcast_in_dim3A_75 masked %and3A_67 : memref<1568xi32, #tpu.memory_space<vmem>>[vector<16xi32>], vector<16xi32>, vector<16xi1>
    %get3A_76 = arith.constant 48 : index
    %get3A_77 = tpu.vector_load %arg5[%get3A_76] {strides = array<i32>} : memref<64xi32, #tpu.memory_space<vmem>>, vector<16xi32>,
    %lt3A_78 = arith.constant 0 : i32
    %lt3A_79 = vector.broadcast %lt3A_78 : i32 to vector<16xi32>
    %lt3A_80 = arith.cmpi slt, %get3A_77, %lt3A_79 : vector<16xi32>
    %add3A_81 = arith.constant 50000 : i32
    %add3A_82 = vector.broadcast %add3A_81 : i32 to vector<16xi32>
    %add3A_83 = arith.addi %get3A_77, %add3A_82 : vector<16xi32>
    %select_n3A_84 = arith.select %lt3A_80, %add3A_83, %get3A_77 : vector<16xi1>, vector<16xi32>
    %sub3A_85 = vector.broadcast %mul3A_2 : i32 to vector<16xi32>
    %sub3A_86 = arith.subi %select_n3A_84, %sub3A_85 : vector<16xi32>
    %ge3A_87 = arith.constant 0 : i32
    %ge3A_88 = vector.broadcast %ge3A_87 : i32 to vector<16xi32>
    %ge3A_89 = arith.cmpi sge, %sub3A_86, %ge3A_88 : vector<16xi32>
    %lt3A_90 = arith.constant 1568 : i32
    %lt3A_91 = vector.broadcast %lt3A_90 : i32 to vector<16xi32>
    %lt3A_92 = arith.cmpi slt, %sub3A_86, %lt3A_91 : vector<16xi32>
    %and3A_93 = arith.andi %ge3A_89, %lt3A_92 : vector<16xi1>
    %jit3A_94 = arith.constant 0 : i32
    %jit3A_95 = arith.constant 1567 : i32
    %max3A_96 = vector.broadcast %jit3A_94 : i32 to vector<16xi32>
    %max3A_97 = arith.maxsi %max3A_96, %sub3A_86 : vector<16xi32>
    %min3A_98 = vector.broadcast %jit3A_95 : i32 to vector<16xi32>
    %min3A_99 = arith.minsi %min3A_98, %max3A_97 : vector<16xi32>
    %broadcast_in_dim3A_100 = arith.constant 1 : i32
    %broadcast_in_dim3A_101 = vector.broadcast %broadcast_in_dim3A_100 : i32 to vector<16xi32>
    tpu.vector_store_idx %arg4[%min3A_99], %broadcast_in_dim3A_101 masked %and3A_93 : memref<1568xi32, #tpu.memory_space<vmem>>[vector<16xi32>], vector<16xi32>, vector<16xi1>
    "tpu.region"() ({
      %run_scoped3A = tpu.sem_alloc : memref<!tpu.dma_semaphore, #tpu.memory_space<semaphore_mem>>
      %dma_start3A = tpu.memref_slice %arg3[%mul3A_2] : memref<50176xi32, #tpu.memory_space<hbm>> -> memref<1568xi32, #tpu.memory_space<hbm>>
      %dma_start3A_102 = tpu.memref_slice %arg3[%mul3A_2] : memref<50176xi32, #tpu.memory_space<hbm>> -> memref<1568xi32, #tpu.memory_space<hbm>>
      tpu.enqueue_dma source(%arg4 : memref<1568xi32, #tpu.memory_space<vmem>>) target(%dma_start3A_102 : memref<1568xi32, #tpu.memory_space<hbm>>) target_semaphore(%run_scoped3A : memref<!tpu.dma_semaphore, #tpu.memory_space<semaphore_mem>>)
      %dma_wait3A = tpu.memref_slice %arg3[%mul3A_2] : memref<50176xi32, #tpu.memory_space<hbm>> -> memref<1568xi32, #tpu.memory_space<hbm>>
      %dma_wait3A_103 = tpu.memref_slice %arg3[%mul3A_2] : memref<50176xi32, #tpu.memory_space<hbm>> -> memref<1568xi32, #tpu.memory_space<hbm>>
      tpu.wait_dma2 semaphore(%run_scoped3A : memref<!tpu.dma_semaphore, #tpu.memory_space<semaphore_mem>>) src(%arg4 : memref<1568xi32, #tpu.memory_space<vmem>>) dst(%dma_wait3A_103 : memref<1568xi32, #tpu.memory_space<hbm>>)
      tpu.yield
    }) : () -> ()
    return
  }
}

module attributes {stable_mosaic.version = 14 : i64} {
  func.func @_copy_body(%arg0: i32, %arg1: memref<3x8x6400xf32, #tpu.memory_space<vmem>>, %arg2: memref<3x8x6400xf32, #tpu.memory_space<vmem>>) attributes {dimension_semantics = [#tpu.dimension_semantics<arbitrary>], iteration_bounds = array<i64: 8>, scalar_prefetch = 0 : i64, scratch_operands = 0 : i64, tpu.core_type = #tpu.core_type<tc>, window_params = [{transform_indices = @transform_0, window_bounds = array<i64: 3, 8, 6400>}, {transform_indices = @transform_1, window_bounds = array<i64: 3, 8, 6400>}]} {
    %get3A = arith.constant 0 : index
    %get3A_0 = arith.constant 0 : index
    %get3A_1 = arith.constant 0 : index
    %get3A_2 = vector.load %arg1[%get3A, %get3A_0, %get3A_1] : memref<3x8x6400xf32, #tpu.memory_space<vmem>>, vector<3x8x6400xf32>
    %swap3A = arith.constant 0 : index
    %swap3A_3 = arith.constant 0 : index
    %swap3A_4 = arith.constant 0 : index
    %swap3A_5 = vector.load %arg2[%swap3A, %swap3A_3, %swap3A_4] : memref<3x8x6400xf32, #tpu.memory_space<vmem>>, vector<3x8x6400xf32>
    tpu.vector_store %arg2[%swap3A, %swap3A_3, %swap3A_4], %get3A_2 {strides = array<i32>} : memref<3x8x6400xf32, #tpu.memory_space<vmem>>, vector<3x8x6400xf32>,
    return
  }
  func.func @transform_0(%arg0: i32) -> (i32, i32, i32) {
    %c0_i32 = arith.constant 0 : i32
    %c0_i32_0 = arith.constant 0 : i32
    %c0_i32_1 = arith.constant 0 : i32
    return %c0_i32, %c0_i32_0, %arg0 : i32, i32, i32
  }
  func.func @transform_1(%arg0: i32) -> (i32, i32, i32) {
    %c0_i32 = arith.constant 0 : i32
    %c0_i32_0 = arith.constant 0 : i32
    %c0_i32_1 = arith.constant 0 : i32
    return %c0_i32, %c0_i32_0, %arg0 : i32, i32, i32
  }
}

</mosaic_0001>

<sc_bundles>
// kernel: kernel.4.cloned.1.call-start
scs
__scs_entry_jumppad:
0x0: {  	(pc) =	sbr.rel $0x88, $3  }
0x1: {  	(tag) =	ssettag $0x0;
	lr =	simm.s32 $0x1  }
0x2: {  	[smem:$0x3F9F] =	sst lr;
	_ =	strace $0xD0000000  }
0x3: {  	_ = 	snop  }
0x4: {  	_ = 	snop  }
0x5: {  	_ = 	snop  }
0x6: {  	_ = 	snop  }
0x7: {  	_ = 	snop  }
__scs_overlays_trampoline_lowered:
0x8: {  	[smem:$0x3FAE] =	sst s0  }
0x9: {  	[smem:$0x3FAF] =	sst s1  }
0xa: {  	[smem:$0x3FB0] =	sst s2  }
0xb: {  	[smem:$0x3FB1] =	sst s3  }
0xc: {  	[smem:$0x3FB2] =	sst s4  }
0xd: {  	[smem:$0x3FB3] =	sst s5  }
0xe: {  	[smem:$0x3FB4] =	sst s6  }
0xf: {  	[smem:$0x3FB5] =	sst s7  }
0x10: {  	[smem:$0x3FB6] =	sst s8  }
0x11: {  	[smem:$0x3FB7] =	sst s9;
	s0 =	simm.s32 @!p0 $0x0  }
0x12: {  	s1 =	sld [smem:$0x3F9D];
	s0 =	simm.s32 @p0 $0x1  }
0x13: {  	[smem:$0x3FB8] =	sst s0;
	s0 =	simm.s32 @!p1 $0x0  }
0x14: {  	s2 =	sld [smem:$0x3F9C];
	s0 =	simm.s32 @p1 $0x1  }
0x15: {  	[smem:$0x3FB9] =	sst s0;
	s0 =	simm.s32 @!p2 $0x0  }
0x16: {  	s3 =	sld [smem:$0x3FDB];
	s0 =	simm.s32 @p2 $0x1  }
0x17: {  	s4 =	simm.s32 $0x1BF5;
	[smem:$0x3FBB] =	sst s0  }
0x18: {  	s0 =	sld [smem:$0x3F9E];
	_ =	swait.ge [sflag:s4], $0x0  }
0x19: {  	s7 =	sld [smem:$0x3F9F]  }
0x1a: {  	s8 =	sadd.s32 $0xFFFFE003, lr  }
0x1b: {  	s9 =	sadd.s32 $0xFFFFFEF7, lr;
	s5 =	simm.s32 $0xFFFFFFFF;
	p2 =	slt.u32 s8, $0xFFFFF086  }
0x1c: {  	p1 =	slt.u32 s9, $0xF7A;
	s5 =	simm.s32 @!p2 $0x0  }
0x1d: {  	s5 =	simm.s32 @p1 $0x1;
	p0 =	seq.s32 s7, s2  }
0x1e: {  	s7 =	smul.u32 @!p0 $0xF7A, s2;
	p2 =	seq.s32 @!p0 s5, $0x0  }
0x1f: {  	s9 =	smul.u32 $0xF7A, s1;
	s8 =	simm.s32 @!p0 $0x1BF5;
	p2 =	por !p2, p0  }
0x20: {  	[sflag:s8] =	ssyncset.s32 @!p0 $0xFFFFF086;
	s6 =	sadd.s32 @!p0 s3, s7;
	s7 =	simm.s32 @!p0 $0x108  }
0x21: {  	s3 =	sadd.s32 s3, s9;
	s6 =	sadd.s32 @!p0 $0x88, s6;
	s7 =	simm.s32 @p2 $0x1082  }
0x22: {  	[simem:s7], [sflag:s8] =	dma.local @!p0 [hbm:s6], $0xF7A  }
0x23: {  	s9 =	sor.u32 $0xD0000000, s2;
	s6 =	simm.s32 $0x108;
	_ =	swait.ge @!p0 [sflag:s8], $0x0  }
0x24: {  	s3 =	sadd.s32 $0x88, s3;
	s6 =	simm.s32 @!p1 $0x1082;
	[sflag:s4] =	ssyncset.s32 $0xFFFFF086  }
0x25: {  	[simem:s6], [sflag:s4] =	dma.local [hbm:s3], $0xF7A  }
0x26: {  	[smem:$0x3F9F] =	sst s1;
	(tag) =	ssettag s2;
	_ =	strace s9  }
0x27: {  	s1 =	sld [smem:$0x3FAF]  }
0x28: {  	s2 =	sld [smem:$0x3FB0]  }
0x29: {  	s4 =	sld [smem:$0x3FB2]  }
0x2a: {  	p0 =	seq.s32 s5, $0x0;
	s5 =	sld [smem:$0x3FB3]  }
0x2b: {  	s6 =	sld [smem:$0x3FB4]  }
0x2c: {  	s7 =	sld [smem:$0x3FB5]  }
0x2d: {  	s3 =	simm.s32 $0x108;
	s8 =	sld [smem:$0x3FB6]  }
0x2e: {  	s3 =	simm.s32 @!p0 $0x1082;
	s9 =	sld [smem:$0x3FB7]  }
0x2f: {  	lr =	sadd.s32 s0, s3;
	s0 =	sld [smem:$0x3FAE]  }
0x30: {  	s3 =	sld [smem:$0x3FB1]  }
0x31: {  	[smem:$0x3FBA] =	sst s10  }
0x32: {  	s10 =	sld [smem:$0x3FB8];
	_ =	sdelay $0x3  }
0x33: {  	p0 =	seq.s32 s10, $0x1;
	s10 =	sld [smem:$0x3FBA];
	_ =	sdelay $0x3  }
0x34: {  	[smem:$0x3FBA] =	sst s10  }
0x35: {  	s10 =	sld [smem:$0x3FB9];
	_ =	sdelay $0x3  }
0x36: {  	p1 =	seq.s32 s10, $0x1;
	s10 =	sld [smem:$0x3FBA];
	_ =	sdelay $0x3  }
0x37: {  	[smem:$0x3FBA] =	sst s10  }
0x38: {  	s10 =	sld [smem:$0x3FBB]  }
0x39: {  	_ = 	snop;
	(pc) =	sbr.ind lr, $3  }
0x3a: {  	_ = 	snop  }
0x3b: {  	_ = 	snop  }
0x3c: {  	p2 =	seq.s32 s10, $0x1;
	s10 =	sld [smem:$0x3FBA]  }
0x3d: {  	_ =	shalt  }
0x3e: {  	_ =	shalt  }
0x3f: {  	_ =	shalt  }
0x40: {  	_ =	shalt  }
0x41: {  	_ =	shalt  }
0x42: {  	_ =	shalt  }
0x43: {  	_ =	shalt  }
0x44: {  	_ =	shalt  }
0x45: {  	_ =	shalt  }
0x46: {  	_ =	shalt  }
0x47: {  	_ =	shalt  }
0x48: {  	_ =	shalt  }
0x49: {  	_ =	shalt  }
0x4a: {  	_ =	shalt  }
0x4b: {  	_ =	shalt  }
0x4c: {  	_ =	shalt  }
0x4d: {  	_ =	shalt  }
0x4e: {  	_ =	shalt  }
0x4f: {  	_ =	shalt  }
0x50: {  	_ =	shalt  }
0x51: {  	_ =	shalt  }
0x52: {  	_ =	shalt  }
0x53: {  	_ =	shalt  }
0x54: {  	_ =	shalt  }
0x55: {  	_ =	shalt  }
0x56: {  	_ =	shalt  }
0x57: {  	_ =	shalt  }
0x58: {  	_ =	shalt  }
0x59: {  	_ =	shalt  }
0x5a: {  	_ =	shalt  }
0x5b: {  	_ =	shalt  }
0x5c: {  	_ =	shalt  }
0x5d: {  	_ =	shalt  }
0x5e: {  	_ =	shalt  }
0x5f: {  	_ =	shalt  }
0x60: {  	_ =	shalt  }
0x61: {  	_ =	shalt  }
0x62: {  	_ =	shalt  }
0x63: {  	_ =	shalt  }
0x64: {  	_ =	shalt  }
0x65: {  	_ =	shalt  }
0x66: {  	_ =	shalt  }
0x67: {  	_ =	shalt  }
0x68: {  	_ =	shalt  }
0x69: {  	_ =	shalt  }
0x6a: {  	_ =	shalt  }
0x6b: {  	_ =	shalt  }
0x6c: {  	_ =	shalt  }
0x6d: {  	_ =	shalt  }
0x6e: {  	_ =	shalt  }
0x6f: {  	_ =	shalt  }
0x70: {  	_ =	shalt  }
0x71: {  	_ =	shalt  }
0x72: {  	_ =	shalt  }
0x73: {  	_ =	shalt  }
0x74: {  	_ =	shalt  }
0x75: {  	_ =	shalt  }
0x76: {  	_ =	shalt  }
0x77: {  	_ =	shalt  }
0x78: {  	_ =	shalt  }
0x79: {  	_ =	shalt  }
0x7a: {  	_ =	shalt  }
0x7b: {  	_ =	shalt  }
0x7c: {  	_ =	shalt  }
0x7d: {  	_ =	shalt  }
0x7e: {  	_ =	shalt  }
0x7f: {  	_ =	shalt  }
0x80: {  	_ =	shalt  }
0x81: {  	_ =	shalt  }
0x82: {  	_ =	shalt  }
0x83: {  	_ =	shalt  }
0x84: {  	_ =	shalt  }
0x85: {  	_ =	shalt  }
0x86: {  	_ =	shalt  }
0x87: {  	_ =	shalt  }
.Lfunc_end0:
.L_simem_size_0:
called_computation_lowered:
.L_overlay_start_0:
0x88: {  	s2 =	sld [smem:$0x3FD9]  }
0x89: {  	s3 =	sld [smem:$0x3FFE];
	_ =	sdelay $0x1  }
0x8a: {  	s1 =	srdreg.scid  }
0x8b: {  	s0 =	sand.u32 $0x1, s1  }
0x8c: {  	s17 =	sshll.u32 s0, $0xA;
	s2 =	sadd.s32 s3, s2  }
0x8d: {  	s2 =	sadd.s32 s2, s17  }
0x8e: {  	[smem:$0x3FC6] =	sst s2  }
0x8f: {  	_ = 	snop  }
0x90: {  	s2 =	sld [smem:$0x3FC8];
	(tm) =	ssettm $0x1  }
0x91: {  	s18 =	sld [smem:$0x3FFB];
	_ =	sdelay $0x3  }
0x92: {  	_ =	strace s18  }
0x93: {  	s3 =	sld [smem:$0x3FFC];
	_ =	sdelay $0x3  }
0x94: {  	_ =	strace s3  }
0x95: {  	s3 =	sld [smem:$0x3FFD];
	_ =	sdelay $0x3  }
0x96: {  	_ =	strace s3  }
0x97: {  	_ =	strace $0x8FFFFFFF  }
0x98: {  	s19 =	sld [smem:$0x3FDB];
	_ =	sdelay $0x1  }
0x99: {  	s4 =	simm.s32 $_scs_section_size  }
0x9a: {  	s5 =	simm.s32 $_size__tile_overlayer_lowered;
	s6 =	simm.s32 $_tile_overlayer_lowered  }
0x9b: {  	s22 =	simm.s32 $0x1BFF;
	s21 =	sshll.u32 s6, $0x1;
	s3 =	sadd.s32 s4, s19  }
0x9c: {  	s7 =	simm.s32 $0x0;
	s20 =	sshll.u32 s5, $0x1;
	s5 =	sadd.s32 s21, s3  }
0x9d: {  	[timem:s7], [sflag:s22] =	dma.local [hbm:s5], s20  }
0x9e: {  	_ =	swait.ge [sflag:s22], s20  }
0x9f: {  	s4 =	ssub.s32 $0x0, s20;
	[sflag:s22] =	ssyncset.done $0x0  }
0xa0: {  	[sflag:s22] =	ssyncadd.s32 s4;
	_ =	sdelay $0x1  }
0xa1: {  	s23 =	simm.s32 $0x1B8B  }
0xa2: {  	_ =	swait.ge [sflag:s23], $0x1  }
0xa3: {  	[sflag:s23] =	ssyncset.done $0x0  }
0xa4: {  	s25 =	simm.s32 $0x1B8E;
	s24 =	sld [smem:$0x3FFE];
	[sflag:s23] =	ssyncadd.s32 $0xFFFFFFFF  }
0xa5: {  	s26 =	simm.s32 $execute0_lowered;
	[smem:$0x3FD2] =	sst s25  }
0xa6: {  	s5 =	sshll.u32 s26, $0x1;
	_ =	strace $0x80000046;
	[dreg:$0x1] =	wrdreg $0xFFFFFFFF  }
0xa7: {  	s28 =	simm.s32 $_size_execute0_lowered;
	s3 =	sadd.s32 s3, s5;
	[dreg:$0x0] =	wrdreg $0x0  }
0xa8: {  	s5 =	sshll.u32 s28, $0x1;
	[dreg:$0x2] =	wrdreg s3  }
0xa9: {  	[dreg:$0x3] =	wrdreg s5  }
0xaa: {  	[dreg:$0x4] =	wrdreg $0xC0  }
0xab: {  	_ =	task [dreg:s7], $0x5FFFF  }
0xac: {  	[dreg:$0x1] =	wrdreg $0xFFFFFFFF  }
0xad: {  	[dreg:$0x0] =	wrdreg $0x60  }
0xae: {  	[dreg:$0x2] =	wrdreg s2  }
0xaf: {  	[dreg:$0x3] =	wrdreg s24  }
0xb0: {  	[dreg:$0x4] =	wrdreg $0x9  }
0xb1: {  	_ =	task.clear_ibuf [dreg:s7], $0x5FFFF;
	_ =	strace $0x90000046  }
0xb2: {  	s29 =	simm.s32 $0x9;
	_ =	strace $0x80000048  }
0xb3: {  	_ =	swait.ge [sflag:s29], $0x1  }
0xb4: {  	[sflag:s29] =	ssyncadd.s32 $0xFFFFFFFF  }
0xb5: {  	_ =	strace $0x90000048  }
0xb6: {  	_ =	sfence  }
0xb7: {  	s30 =	sld [smem:$0x0];
	_ =	sdelay $0x2  }
0xb8: {  	s31 =	sshll.u32 s1, $0xD;
	s1 =	sshrl.u32 s1, $0x2  }
0xb9: {  	s3 =	sand.u32 $0x4000, s31;
	s1 =	sadd.s32 s1, s30  }
0xba: {  	s0 =	sor.u32 s3, s0;
	s1 =	sshll.u32 s1, $0x11  }
0xbb: {  	s0 =	sor.u32 s1, s0  }
0xbc: {  	s0 =	sadd.s32 $0x8F2B, s0  }
0xbd: {  	[sflag:s0] =	ssyncadd.remote.s32 $0x1  }
0xbe: {  	_ =	sfence.sel $0xFFFF  }
0xbf: {  	[dreg:$0x0] =	wrdreg $0xFFFFFFFF;
	(pc) =	sbr.abs _section_cstart, $3  }
0xc0: {  	[dreg:$0x1] =	wrdreg $0xFFFFFFFF  }
0xc1: {  	_ =	task.clear_ibuf [dreg:s7], $0x2FFFF;
	_ =	strace $0x9FFFFFFF  }
0xc2: {  	(tm) =	ssettm $0x7FFFFFFF  }
0xc3: {  	_ =	shalt  }
tec
execute0_lowered:
.L_overlay_start_1:
0x0: {  	(tag) =	ssettag $0x1  }
0x1: {  	s1 =	srdreg.scid;
	s0 =	stileid.u32  }
0x2: {  	s2 =	rddreg [dreg:$0x0];
	s3 =	sand.u32 $0x1, s1;
	s31 =	sshll.u32 s0, $0x1  }
0x3: {  	s4 =	rddreg [dreg:$0x1];
	s1 =	sor.u32 s3, s31;
	s5 =	ssub.s32 $0x2, s3  }
0x4: {  	s3 =	simm.s32 $0x0;
	s6 =	smul.u32 $0x620, s1;
	s1 =	rddreg [dreg:$0x2]  }
0x5: {  	s8 =	sshrl.u32 s5, $0x1;
	[smem:$0x7FF] =	sst s3  }
0x6: {  	s5 =	ssub.s32 s5, s8;
	_ =	strace $0x80000047;
	s7 =	sshrl.u32 s6, $0x3  }
0x7: {  	s8 =	simm.s32 $0x0;
	s5 =	smax.u32 s5, $0x1;
	s4 =	sadd.s32 s7, s4  }
0x8: {  	v1 =	vimm.s32 $0x0;
	v2 =	vimm.s32 $0x1;
	v0 =	vmov s6;
	s6 =	simm.s32 $0x680;
	s7 =	simm.s32 $0x1;
	s4 =	sadd.s32 $0x600, s4  }
.LBB2_1:
0x9: {  	s9 =	simm.s32 $0x40;
	s10 =	simm.s32 $0x0  }
.LBB2_2:
0xa: {  	p0 =	sne.s32 s9, $0x1840;
	[tilespmem:s10+$0x0] =	vst v1;
	s10 =	smov.u32 s9;
	s9 =	sadd.s32 $0x40, s9  }
.Ltmp0:
0xb: {  	(pc) =	sbr.rel @p0 .LBB2_2-.Ltmp0, $2  }
0xc: {  	_ =	sdelay $0x2  }
0xd: {  	s10 =	sshra.s32 s10, $0x2  }
0xe: {  	[tilespmem:s10+$0x0] =	vst v1  }
0xf: {  	[tilespmem:s6], [sflag:$0x1] =	stream.linear.gather [hbm4b:s2+s3], $0x80, $0x38;
	[tilespmem:$0x700] =	vst v63  }
0x10: {  	_ =	swait.ge [sflag:s7], $0x80  }
0x11: {  	[sflag:s7] =	ssyncset.done $0x0  }
0x12: {  	[sflag:s7] =	ssyncadd.s32 $0xFFFFFF80  }
0x13: {  	v3 =	vld [tilespmem:$0x680];
	_ =	sdelay $0x4  }
0x14: {  	vm0 =	vlt.s32 v3, $0x0;
	v4 =	vadd.s32 $0xC350, v3  }
0x15: {  	v3 =	vsel vm0, v4, v3  }
0x16: {  	v3 =	vsub.s32 v3, v0  }
0x17: {  	vm6 =	vgt.s32 v3, $0x0  }
0x18: {  	vm1 =	vlt.u32 v3, $0x620;
	v3 =	vnsel vm6, $0x0, v3  }
0x19: {  	v3 =	vmin.u32 v3, $0x61F;
	_ =	sdelay $0x4  }
0x1a: {  	[tilespmem:v3+s3+$0x0] =	vst.idx.msk vm1, v2  }
0x1b: {  	v3 =	vld [tilespmem:$0x690];
	_ =	sdelay $0x4  }
0x1c: {  	vm7 =	vlt.s32 v3, $0x0;
	v61 =	vadd.s32 $0xC350, v3  }
0x1d: {  	v3 =	vsel vm7, v61, v3  }
0x1e: {  	v3 =	vsub.s32 v3, v0  }
0x1f: {  	vm8 =	vgt.s32 v3, $0x0  }
0x20: {  	vm9 =	vlt.u32 v3, $0x620;
	v3 =	vnsel vm8, $0x0, v3  }
0x21: {  	v3 =	vmin.u32 v3, $0x61F;
	_ =	sdelay $0x4  }
0x22: {  	[tilespmem:v3+s3+$0x0] =	vst.idx.msk vm9, v2  }
0x23: {  	v3 =	vld [tilespmem:$0x6A0];
	_ =	sdelay $0x4  }
0x24: {  	vm10 =	vlt.s32 v3, $0x0;
	v62 =	vadd.s32 $0xC350, v3  }
0x25: {  	v3 =	vsel vm10, v62, v3  }
0x26: {  	v3 =	vsub.s32 v3, v0  }
0x27: {  	vm11 =	vgt.s32 v3, $0x0  }
0x28: {  	vm12 =	vlt.u32 v3, $0x620;
	v3 =	vnsel vm11, $0x0, v3  }
0x29: {  	v3 =	vmin.u32 v3, $0x61F;
	_ =	sdelay $0x4  }
0x2a: {  	[tilespmem:v3+s3+$0x0] =	vst.idx.msk vm12, v2  }
0x2b: {  	v3 =	vld [tilespmem:$0x6B0];
	_ =	sdelay $0x4  }
0x2c: {  	vm13 =	vlt.s32 v3, $0x0;
	v63 =	vadd.s32 $0xC350, v3  }
0x2d: {  	v3 =	vsel vm13, v63, v3  }
0x2e: {  	v3 =	vsub.s32 v3, v0  }
0x2f: {  	vm14 =	vgt.s32 v3, $0x0  }
0x30: {  	vm15 =	vlt.u32 v3, $0x620;
	v3 =	vnsel vm14, $0x0, v3  }
0x31: {  	v3 =	vmin.u32 v3, $0x61F;
	_ =	sdelay $0x2  }
0x32: {  	s8 =	sadd.s32 $0x1, s8  }
0x33: {  	p0 =	sne.s32 s8, s5  }
.Ltmp1:
0x34: {  	[tilespmem:v3+s3+$0x0] =	vst.idx.msk vm15, v2;
	(pc) =	sbr.rel @p0 .LBB2_1-.Ltmp1, $4  }
0x35: {  	[hbm4b:s4+s3] =	stream.linear.scatter [tilespmem:s3], [sflag:$0x1], $0x620, $0x38;
	[tilespmem:$0x700] =	vst v63  }
0x36: {  	_ =	swait.ge [sflag:s7], $0x620  }
0x37: {  	[sflag:s7] =	ssyncset.done $0x0  }
0x38: {  	[sflag:s7] =	ssyncadd.s32 $0xFFFFF9E0  }
0x39: {  	_ =	sfence.sel $0x180000  }
0x3a: {  	[bflag:$0x0] =	sbarrier.arrive $0xFFFF  }
0x3b: {  	p0 =	sne.s32 s0, $0x0;
	_ =	strace $0x90000047  }
0x3c: {  	s0 =	sadd.s32 @!p0 $0x100000, s1;
	[bflag:$0x2] =	sbarrier.arrive $0xFFFF  }
0x3d: {  	[sflag:s0] =	ssyncadd.tile.s32 @!p0 $0x1;
	_ =	shalt  }
.Lfunc_end2:
_tile_overlayer_lowered:
.L_overlay_start_2:
0x3e: {  	(tag) =	ssettag $0x2  }
0x3f: {  	s0 =	rddreg [dreg:$0x0];
	s2 =	stileid.u32  }
0x40: {  	s1 =	rddreg [dreg:$0x1];
	p0 =	sne.s32 s2, $0x0  }
0x41: {  	s3 =	rddreg [dreg:$0x2];
	[bflag:$0x3] =	sbarrier.arrive $0xFFFF;
	s2 =	simm.s32 @!p0 $0x1C01  }
0x42: {  	[timem:s3], [sflag:s2] =	dma.local @!p0 [hbm:s0], s1  }
0x43: {  	s0 =	simm.s32 @!p0 $0x1  }
0x44: {  	_ =	swait.ge @!p0 [sflag:s0], s1  }
0x45: {  	s1 =	ssub.s32 @!p0 $0x0, s1;
	[sflag:s0] =	ssyncset.done @!p0 $0x0  }
0x46: {  	[sflag:s0] =	ssyncadd.s32 @!p0 s1  }
0x47: {  	[bflag:$0x3] =	sbarrier.arrive $0xFFFF  }
0x48: {  	_ =	shalt  }

</sc_bundles>
